<compile_context>
chip_gen: v7x
topology: tpu7x:2x2x1
jax: 0.10.2.dev20260603
libtpu: 0.0.44.dev20260713+nightly
codegen_flags: <defaults>
</compile_context>

<pallas_src>
import jax
import jax.numpy as jnp
from jax.experimental import pallas as pl
from jax.experimental.pallas import tpu as pltpu
from jax.experimental.pallas import tpu_sc as plsc

_B = 8
_N = 4096
_D = 512
_C = 1024
_NU = 0.001
_K = 1
_TB = 4096
_NBLK = (_B * _N) // _TB
_LOSS_SCALE = 1.0 / (_NU * _B * _N * _K)

_NCORES = 2
_NSUB = 16
_NW = _NCORES * _NSUB
_ROWS_W = (_B * _N) // _NW


def _dist_kernel(e_ref, ct_ref, r_ref, score_ref, loss_ref, ctm2_ref, cen_ref):
    i = pl.program_id(0)

    @pl.when(i == 0)
    def _prep():
        ct = ct_ref[...]
        ctm2_ref[...] = (-2.0 * ct).astype(jnp.bfloat16)
        cen_ref[...] = jnp.sum(ct * ct, axis=0, keepdims=True)

    e = e_ref[...]
    p = jnp.dot(e.astype(jnp.bfloat16), ctm2_ref[...],
                preferred_element_type=jnp.float32)
    d2 = cen_ref[...] + p
    m = jnp.min(d2, axis=1, keepdims=True)
    feat = jnp.sum(e * e, axis=1, keepdims=True)
    dist = jnp.sqrt(feat + m)
    score_ref[...] = dist
    part = jnp.sum(jnp.maximum(dist - r_ref[0] * r_ref[0], 0.0))

    @pl.when(i == 0)
    def _init():
        loss_ref[0, 0] = 0.0

    loss_ref[0, 0] += part

    @pl.when(i == _NBLK - 1)
    def _finish():
        loss_ref[0, 0] = loss_ref[0, 0] * _LOSS_SCALE


def _copy_kernel(src_ref, dst_ref):
    c = jax.lax.axis_index("c")
    s = jax.lax.axis_index("s")
    wid = s * _NCORES + c
    pltpu.sync_copy(src_ref.at[pl.ds(wid, 1)], dst_ref.at[pl.ds(wid, 1)])


def kernel(embeds, centroids, r):
    e2d = embeds.reshape(_B * _N, _D)
    ct = centroids.T

    e_wide = embeds.reshape(_NW, (_B * _N * _D) // _NW)
    e_out = pl.kernel(
        _copy_kernel,
        mesh=plsc.VectorSubcoreMesh(
            core_axis_name="c", subcore_axis_name="s", num_cores=_NCORES
        ),
        out_type=jax.ShapeDtypeStruct((_NW, (_B * _N * _D) // _NW),
                                      jnp.float32),
    )(e_wide)

    score_flat, loss = pl.pallas_call(
        _dist_kernel,
        grid=(_NBLK,),
        in_specs=[
            pl.BlockSpec((_TB, _D), lambda i: (i, 0)),
            pl.BlockSpec((_D, _C), lambda i: (0, 0)),
            pl.BlockSpec(memory_space=pltpu.SMEM),
        ],
        out_specs=[
            pl.BlockSpec((_TB, 1), lambda i: (i, 0)),
            pl.BlockSpec(memory_space=pltpu.SMEM),
        ],
        out_shape=[
            jax.ShapeDtypeStruct((_B * _N, 1), jnp.float32),
            jax.ShapeDtypeStruct((1, 1), jnp.float32),
        ],
        scratch_shapes=[
            pltpu.VMEM((_D, _C), jnp.bfloat16),
            pltpu.VMEM((1, _C), jnp.float32),
        ],
        compiler_params=pltpu.CompilerParams(
            dimension_semantics=("arbitrary",),
        ),
    )(e2d, ct, r)

    h = 64
    score = score_flat.reshape(_B, 1, h, h)
    return (loss[0, 0], score, e_out.reshape(_B, _N, _D))

# --- scband reference (transcript-rebuilt; emitter-appended) ---
"""Pipeline reference for scband-centroids-flow-ad-13211319403321 (READ-ONLY COPY).

The authoritative reference and input builder live on the scoring server;
editing this copy changes nothing except your own understanding.
"""

import jax, jax.numpy as jnp
import numpy as np

B = 8
FP_NUMS = 4096
FEAT_DIM = 512
NMB_PROTOTYPES = 1024
NU = 0.001
K = 1  # K + J = 1 + 0


def setup_inputs(seed: int = 0) -> dict:
    key = jax.random.key(seed)
    k1, k2 = jax.random.split(key)
    embeds = jax.random.normal(k1, (B, FP_NUMS, FEAT_DIM), dtype=jnp.float32)
    centroids = jax.random.normal(k2, (NMB_PROTOTYPES, FEAT_DIM), dtype=jnp.float32)
    # learned (frozen) radius parameter r, requires_grad=False in torch
    r = 1e-05 * jnp.ones((1,), dtype=jnp.float32)
    return {"embeds": embeds, "centroids": centroids, "r": r}


def reference(embeds, centroids, r):
    # features: [B, N, 1]
    features = jnp.sum(jnp.power(embeds, 2), axis=2, keepdims=True)
    # centers: [1, C]
    centers = jnp.sum(jnp.power(jnp.transpose(centroids), 2), axis=0, keepdims=True)
    # f_c: [B, N, C]
    f_c = 2.0 * jnp.matmul(embeds, jnp.transpose(centroids))
    dist = features + centers - f_c
    dist = jnp.sqrt(dist)
    # topk smallest (k = K + J = 1)
    neg_top, _ = jax.lax.top_k(-dist, K)
    dist_k = -neg_top  # [B, N, K]
    # softmin over last dim, take first column, multiply by nearest dist
    sim = jax.nn.softmax(-dist_k, axis=-1)[:, :, 0] * dist_k[:, :, 0]
    sim = sim[..., None]  # [B, N, 1]
    h = int(np.sqrt(FP_NUMS))
    # rearrange 'b (h w) c -> b c h w'
    score = jnp.transpose(sim.reshape(B, h, h, 1), (0, 3, 1, 2))
    # training-mode soft boundary loss
    sb = dist_k[:, :, :K] - r ** 2
    loss = (1.0 / NU) * jnp.mean(jax.nn.relu(sb))
    return (loss, score, embeds)

if __name__ == "__main__":
    import jax
    _d = setup_inputs()
    print(jax.jit(kernel)(*tuple(_d.values())))

</pallas_src>

<mosaic_0001>
#map = affine_map<(d0, d1) -> (0, 0)>
module attributes {stable_mosaic.version = 14 : i64} {
  func.func @_copy_kernel(%arg0: i32, %arg1: i32, %arg2: memref<32x524288xf32, #tpu.memory_space<hbm>>, %arg3: memref<32x524288xf32, #tpu.memory_space<hbm>>) attributes {dimension_semantics = [#tpu.dimension_semantics<core_parallel>, #tpu.dimension_semantics<subcore_parallel>], iteration_bounds = array<i64: 2, 16>, scalar_prefetch = 0 : i64, scratch_operands = 0 : i64, tpu.core_type = #tpu.core_type<sc_vector_subcore>, window_params = [{transform_indices = #map}, {transform_indices = #map}]} {
    %mul3A = arith.constant 2 : i32
    %mul3A_0 = arith.muli %arg1, %mul3A : i32
    %add3A = arith.addi %mul3A_0, %arg0 : i32
    "tpu.region"() ({
      %run_scoped3A = tpu.sem_alloc : memref<!tpu.dma_semaphore, #tpu.memory_space<semaphore_mem>>
      %dma_start3A = arith.constant 0 : i32
      %dma_start3A_1 = tpu.memref_slice %arg3[%add3A, %dma_start3A] : memref<32x524288xf32, #tpu.memory_space<hbm>> -> memref<1x524288xf32, #tpu.memory_space<hbm>>
      %dma_start3A_2 = arith.constant 0 : i32
      %dma_start3A_3 = tpu.memref_slice %arg2[%add3A, %dma_start3A_2] : memref<32x524288xf32, #tpu.memory_space<hbm>> -> memref<1x524288xf32, #tpu.memory_space<hbm>>
      tpu.enqueue_dma source(%dma_start3A_3 : memref<1x524288xf32, #tpu.memory_space<hbm>>) target(%dma_start3A_1 : memref<1x524288xf32, #tpu.memory_space<hbm>>) target_semaphore(%run_scoped3A : memref<!tpu.dma_semaphore, #tpu.memory_space<semaphore_mem>>)
      %dma_wait3A = arith.constant 0 : i32
      %dma_wait3A_4 = tpu.memref_slice %arg3[%add3A, %dma_wait3A] : memref<32x524288xf32, #tpu.memory_space<hbm>> -> memref<1x524288xf32, #tpu.memory_space<hbm>>
      %dma_wait3A_5 = arith.constant 0 : i32
      %dma_wait3A_6 = tpu.memref_slice %arg2[%add3A, %dma_wait3A_5] : memref<32x524288xf32, #tpu.memory_space<hbm>> -> memref<1x524288xf32, #tpu.memory_space<hbm>>
      tpu.wait_dma2 semaphore(%run_scoped3A : memref<!tpu.dma_semaphore, #tpu.memory_space<semaphore_mem>>) src(%dma_wait3A_6 : memref<1x524288xf32, #tpu.memory_space<hbm>>) dst(%dma_wait3A_4 : memref<1x524288xf32, #tpu.memory_space<hbm>>)
      tpu.yield
    }) : () -> ()
    return
  }
}

module attributes {stable_mosaic.version = 14 : i64} {
  func.func @_dist_kernel(%arg0: i32, %arg1: memref<4096x512xf32, #tpu.memory_space<vmem>>, %arg2: memref<512x1024xf32, #tpu.memory_space<vmem>>, %arg3: memref<1xf32, #tpu.memory_space<smem>>, %arg4: memref<4096x1xf32, #tpu.memory_space<vmem>>, %arg5: memref<1x1xf32, #tpu.memory_space<smem>>, %arg6: memref<512x1024xbf16, #tpu.memory_space<vmem>>, %arg7: memref<1x1024xf32, #tpu.memory_space<vmem>>) attributes {dimension_semantics = [#tpu.dimension_semantics<arbitrary>], iteration_bounds = array<i64: 8>, scalar_prefetch = 0 : i64, scratch_operands = 2 : i64, tpu.core_type = #tpu.core_type<tc>, window_params = [{transform_indices = @transform_0, window_bounds = array<i64: 4096, 512>}, {pipeline_mode = #tpu.pipeline_mode<synchronous>, transform_indices = @transform_1, window_bounds = array<i64: 512, 1024>}, {transform_indices = @transform_2, window_bounds = array<i64: 1>}, {transform_indices = @transform_3, window_bounds = array<i64: 4096, 1>}, {transform_indices = @transform_4, window_bounds = array<i64: 1, 1>}]} {
    %eq3A = arith.constant 0 : i32
    %eq3A_0 = arith.cmpi eq, %arg0, %eq3A : i32
    %convert_element_type3A = arith.extui %eq3A_0 : i1 to i32
    %cond3A = arith.constant 0 : i32
    %cond3A_1 = arith.cmpi ne, %convert_element_type3A, %cond3A : i32
    scf.if %cond3A_1 {
      %get3A_49 = arith.constant 0 : index
      %get3A_50 = arith.constant 0 : index
      %get3A_51 = vector.load %arg2[%get3A_49, %get3A_50] : memref<512x1024xf32, #tpu.memory_space<vmem>>, vector<512x1024xf32>
      %mul3A_52 = arith.constant -2.000000e+00 : f32
      %mul3A_53 = vector.broadcast %mul3A_52 : f32 to vector<512x1024xf32>
      %mul3A_54 = arith.mulf %mul3A_53, %get3A_51 : vector<512x1024xf32>
      %convert_element_type3A_55 = arith.truncf %mul3A_54 : vector<512x1024xf32> to vector<512x1024xbf16>
      %swap3A_56 = arith.constant 0 : index
      %swap3A_57 = arith.constant 0 : index
      %swap3A_58 = vector.load %arg6[%swap3A_56, %swap3A_57] : memref<512x1024xbf16, #tpu.memory_space<vmem>>, vector<512x1024xbf16>
      tpu.vector_store %arg6[%swap3A_56, %swap3A_57], %convert_element_type3A_55 {strides = array<i32>} : memref<512x1024xbf16, #tpu.memory_space<vmem>>, vector<512x1024xbf16>,
      %mul3A_59 = arith.mulf %get3A_51, %get3A_51 : vector<512x1024xf32>
      %reduce_sum3A_60 = arith.constant dense<0.000000e+00> : vector<1024xf32>
      %reduce_sum3A_61 = vector.multi_reduction <add>, %mul3A_59, %reduce_sum3A_60 [0] : vector<512x1024xf32> to vector<1024xf32>
      %broadcast_in_dim3A_62 = vector.shape_cast %reduce_sum3A_61 : vector<1024xf32> to vector<1x1024xf32>
      %swap3A_63 = arith.constant 0 : index
      %swap3A_64 = arith.constant 0 : index
      %swap3A_65 = vector.load %arg7[%swap3A_63, %swap3A_64] : memref<1x1024xf32, #tpu.memory_space<vmem>>, vector<1x1024xf32>
      tpu.vector_store %arg7[%swap3A_63, %swap3A_64], %broadcast_in_dim3A_62 {strides = array<i32>} : memref<1x1024xf32, #tpu.memory_space<vmem>>, vector<1x1024xf32>,
    } else {
    }
    %get3A = arith.constant 0 : index
    %get3A_2 = arith.constant 0 : index
    %get3A_3 = vector.load %arg1[%get3A, %get3A_2] : memref<4096x512xf32, #tpu.memory_space<vmem>>, vector<4096x512xf32>
    %convert_element_type3A_4 = arith.truncf %get3A_3 : vector<4096x512xf32> to vector<4096x512xbf16>
    %get3A_5 = arith.constant 0 : index
    %get3A_6 = arith.constant 0 : index
    %get3A_7 = vector.load %arg6[%get3A_5, %get3A_6] : memref<512x1024xbf16, #tpu.memory_space<vmem>>, vector<512x1024xbf16>
    %dot_general3A = arith.constant dense<0.000000e+00> : vector<4096x1024xf32>
    %dot_general3A_8 = tpu.matmul %convert_element_type3A_4, %get3A_7, %dot_general3A {dimension_numbers = #tpu.dot_dimension_numbers<[1], [0], [0], [1], [0, 0, 1, 1], [], []>, transpose_lhs_hint = false} : vector<4096x512xbf16>, vector<512x1024xbf16>, vector<4096x1024xf32> -> vector<4096x1024xf32>
    %get3A_9 = arith.constant 0 : index
    %get3A_10 = arith.constant 0 : index
    %get3A_11 = vector.load %arg7[%get3A_9, %get3A_10] : memref<1x1024xf32, #tpu.memory_space<vmem>>, vector<1x1024xf32>
    %add3A = vector.broadcast %get3A_11 : vector<1x1024xf32> to vector<4096x1024xf32>
    %add3A_12 = arith.addf %add3A, %dot_general3A_8 : vector<4096x1024xf32>
    %reduce_min3A = arith.constant dense<0x7F800000> : vector<4096xf32>
    %reduce_min3A_13 = vector.multi_reduction <minimumf>, %add3A_12, %reduce_min3A [1] : vector<4096x1024xf32> to vector<4096xf32>
    %broadcast_in_dim3A = vector.shape_cast %reduce_min3A_13 : vector<4096xf32> to vector<4096x1xf32>
    %mul3A = arith.mulf %get3A_3, %get3A_3 : vector<4096x512xf32>
    %reduce_sum3A = arith.constant dense<0.000000e+00> : vector<4096xf32>
    %reduce_sum3A_14 = vector.multi_reduction <add>, %mul3A, %reduce_sum3A [1] : vector<4096x512xf32> to vector<4096xf32>
    %broadcast_in_dim3A_15 = vector.shape_cast %reduce_sum3A_14 : vector<4096xf32> to vector<4096x1xf32>
    %add3A_16 = arith.addf %broadcast_in_dim3A_15, %broadcast_in_dim3A : vector<4096x1xf32>
    %sqrt3A = math.sqrt %add3A_16 : vector<4096x1xf32>
    %swap3A = arith.constant 0 : index
    %swap3A_17 = arith.constant 0 : index
    %swap3A_18 = vector.load %arg4[%swap3A, %swap3A_17] : memref<4096x1xf32, #tpu.memory_space<vmem>>, vector<4096x1xf32>
    tpu.vector_store %arg4[%swap3A, %swap3A_17], %sqrt3A {strides = array<i32>} : memref<4096x1xf32, #tpu.memory_space<vmem>>, vector<4096x1xf32>,
    %get3A_19 = arith.constant 0 : index
    %get3A_20 = memref.load %arg3[%get3A_19] : memref<1xf32, #tpu.memory_space<smem>>
    %get3A_21 = arith.constant 0 : index
    %get3A_22 = memref.load %arg3[%get3A_21] : memref<1xf32, #tpu.memory_space<smem>>
    %mul3A_23 = arith.mulf %get3A_20, %get3A_22 : f32
    %sub3A = vector.broadcast %mul3A_23 : f32 to vector<4096x1xf32>
    %sub3A_24 = arith.subf %sqrt3A, %sub3A : vector<4096x1xf32>
    %max3A = arith.constant 0.000000e+00 : f32
    %max3A_25 = vector.broadcast %max3A : f32 to vector<4096x1xf32>
    %max3A_26 = arith.maximumf %sub3A_24, %max3A_25 : vector<4096x1xf32>
    %reduce_sum3A_27 = vector.shape_cast %max3A_26 : vector<4096x1xf32> to vector<1x4096x1xf32>
    %reduce_sum3A_28 = arith.constant dense<0.000000e+00> : vector<1xf32>
    %reduce_sum3A_29 = vector.multi_reduction <add>, %reduce_sum3A_27, %reduce_sum3A_28 [1, 2] : vector<1x4096x1xf32> to vector<1xf32>
    %reduce_sum3A_30 = vector.shape_cast %reduce_sum3A_29 : vector<1xf32> to vector<1x1x1xf32>
    %reduce_sum3A_31 = vector.extract %reduce_sum3A_30[0, 0, 0] : f32 from vector<1x1x1xf32>
    %eq3A_32 = arith.constant 0 : i32
    %eq3A_33 = arith.cmpi eq, %arg0, %eq3A_32 : i32
    %convert_element_type3A_34 = arith.extui %eq3A_33 : i1 to i32
    %cond3A_35 = arith.constant 0 : i32
    %cond3A_36 = arith.cmpi ne, %convert_element_type3A_34, %cond3A_35 : i32
    scf.if %cond3A_36 {
      %swap3A_49 = arith.constant 0.000000e+00 : f32
      %swap3A_50 = arith.constant 0 : index
      %swap3A_51 = arith.constant 0 : index
      %swap3A_52 = memref.load %arg5[%swap3A_50, %swap3A_51] : memref<1x1xf32, #tpu.memory_space<smem>>
      memref.store %swap3A_49, %arg5[%swap3A_50, %swap3A_51] : memref<1x1xf32, #tpu.memory_space<smem>>
    } else {
    }
    %get3A_37 = arith.constant 0 : index
    %get3A_38 = arith.constant 0 : index
    %get3A_39 = memref.load %arg5[%get3A_37, %get3A_38] : memref<1x1xf32, #tpu.memory_space<smem>>
    %add3A_40 = arith.addf %get3A_39, %reduce_sum3A_31 : f32
    %swap3A_41 = arith.constant 0 : index
    %swap3A_42 = arith.constant 0 : index
    %swap3A_43 = memref.load %arg5[%swap3A_41, %swap3A_42] : memref<1x1xf32, #tpu.memory_space<smem>>
    memref.store %add3A_40, %arg5[%swap3A_41, %swap3A_42] : memref<1x1xf32, #tpu.memory_space<smem>>
    %eq3A_44 = arith.constant 7 : i32
    %eq3A_45 = arith.cmpi eq, %arg0, %eq3A_44 : i32
    %convert_element_type3A_46 = arith.extui %eq3A_45 : i1 to i32
    %cond3A_47 = arith.constant 0 : i32
    %cond3A_48 = arith.cmpi ne, %convert_element_type3A_46, %cond3A_47 : i32
    scf.if %cond3A_48 {
      %get3A_49 = arith.constant 0 : index
      %get3A_50 = arith.constant 0 : index
      %get3A_51 = memref.load %arg5[%get3A_49, %get3A_50] : memref<1x1xf32, #tpu.memory_space<smem>>
      %mul3A_52 = arith.constant 0.0305175781 : f32
      %mul3A_53 = arith.mulf %get3A_51, %mul3A_52 : f32
      %swap3A_54 = arith.constant 0 : index
      %swap3A_55 = arith.constant 0 : index
      %swap3A_56 = memref.load %arg5[%swap3A_54, %swap3A_55] : memref<1x1xf32, #tpu.memory_space<smem>>
      memref.store %mul3A_53, %arg5[%swap3A_54, %swap3A_55] : memref<1x1xf32, #tpu.memory_space<smem>>
    } else {
    }
    return
  }
  func.func @transform_0(%arg0: i32) -> (i32, i32) {
    %c0_i32 = arith.constant 0 : i32
    %c0_i32_0 = arith.constant 0 : i32
    return %arg0, %c0_i32 : i32, i32
  }
  func.func @transform_1(%arg0: i32) -> (i32, i32) {
    %c0_i32 = arith.constant 0 : i32
    %c0_i32_0 = arith.constant 0 : i32
    %c0_i32_1 = arith.constant 0 : i32
    return %c0_i32, %c0_i32_0 : i32, i32
  }
  func.func @transform_2(%arg0: i32) -> i32 {
    %c0_i32 = arith.constant 0 : i32
    %c0_i32_0 = arith.constant 0 : i32
    return %c0_i32 : i32
  }
  func.func @transform_3(%arg0: i32) -> (i32, i32) {
    %c0_i32 = arith.constant 0 : i32
    %c0_i32_0 = arith.constant 0 : i32
    return %arg0, %c0_i32 : i32, i32
  }
  func.func @transform_4(%arg0: i32) -> (i32, i32) {
    %c0_i32 = arith.constant 0 : i32
    %c0_i32_0 = arith.constant 0 : i32
    %c0_i32_1 = arith.constant 0 : i32
    return %c0_i32, %c0_i32_0 : i32, i32
  }
}

</mosaic_0001>

<sc_bundles>
// kernel: kernel.4.cloned.1.call-start
scs
__scs_entry_jumppad:
0x0: {  	(pc) =	sbr.rel $0x88, $3  }
0x1: {  	(tag) =	ssettag $0x0;
	lr =	simm.s32 $0x1  }
0x2: {  	[smem:$0x3F9E] =	sst lr;
	_ =	strace $0xD0000000  }
0x3: {  	_ = 	snop  }
0x4: {  	_ = 	snop  }
0x5: {  	_ = 	snop  }
0x6: {  	_ = 	snop  }
0x7: {  	_ = 	snop  }
__scs_overlays_trampoline_lowered:
0x8: {  	[smem:$0x3FAD] =	sst s0  }
0x9: {  	[smem:$0x3FAE] =	sst s1  }
0xa: {  	[smem:$0x3FAF] =	sst s2  }
0xb: {  	[smem:$0x3FB0] =	sst s3  }
0xc: {  	[smem:$0x3FB1] =	sst s4  }
0xd: {  	[smem:$0x3FB2] =	sst s5  }
0xe: {  	[smem:$0x3FB3] =	sst s6  }
0xf: {  	[smem:$0x3FB4] =	sst s7  }
0x10: {  	[smem:$0x3FB5] =	sst s8  }
0x11: {  	[smem:$0x3FB6] =	sst s9;
	s0 =	simm.s32 @!p0 $0x0  }
0x12: {  	s1 =	sld [smem:$0x3F9C];
	s0 =	simm.s32 @p0 $0x1  }
0x13: {  	[smem:$0x3FB7] =	sst s0;
	s0 =	simm.s32 @!p1 $0x0  }
0x14: {  	s2 =	sld [smem:$0x3F9B];
	s0 =	simm.s32 @p1 $0x1  }
0x15: {  	[smem:$0x3FB8] =	sst s0;
	s0 =	simm.s32 @!p2 $0x0  }
0x16: {  	s3 =	sld [smem:$0x3FDB];
	s0 =	simm.s32 @p2 $0x1  }
0x17: {  	s4 =	simm.s32 $0x1BF5;
	[smem:$0x3FBA] =	sst s0  }
0x18: {  	s0 =	sld [smem:$0x3F9D];
	_ =	swait.ge [sflag:s4], $0x0  }
0x19: {  	s7 =	sld [smem:$0x3F9E]  }
0x1a: {  	s8 =	sadd.s32 $0xFFFFE003, lr  }
0x1b: {  	s9 =	sadd.s32 $0xFFFFFEF7, lr;
	s5 =	simm.s32 $0xFFFFFFFF;
	p2 =	slt.u32 s8, $0xFFFFF086  }
0x1c: {  	p1 =	slt.u32 s9, $0xF7A;
	s5 =	simm.s32 @!p2 $0x0  }
0x1d: {  	s5 =	simm.s32 @p1 $0x1;
	p0 =	seq.s32 s7, s2  }
0x1e: {  	s7 =	smul.u32 @!p0 $0xF7A, s2;
	p2 =	seq.s32 @!p0 s5, $0x0  }
0x1f: {  	s9 =	smul.u32 $0xF7A, s1;
	s8 =	simm.s32 @!p0 $0x1BF5;
	p2 =	por !p2, p0  }
0x20: {  	[sflag:s8] =	ssyncset.s32 @!p0 $0xFFFFF086;
	s6 =	sadd.s32 @!p0 s3, s7;
	s7 =	simm.s32 @!p0 $0x108  }
0x21: {  	s3 =	sadd.s32 s3, s9;
	s6 =	sadd.s32 @!p0 $0x88, s6;
	s7 =	simm.s32 @p2 $0x1082  }
0x22: {  	[simem:s7], [sflag:s8] =	dma.local @!p0 [hbm:s6], $0xF7A  }
0x23: {  	s9 =	sor.u32 $0xD0000000, s2;
	s6 =	simm.s32 $0x108;
	_ =	swait.ge @!p0 [sflag:s8], $0x0  }
0x24: {  	s3 =	sadd.s32 $0x88, s3;
	s6 =	simm.s32 @!p1 $0x1082;
	[sflag:s4] =	ssyncset.s32 $0xFFFFF086  }
0x25: {  	[simem:s6], [sflag:s4] =	dma.local [hbm:s3], $0xF7A  }
0x26: {  	[smem:$0x3F9E] =	sst s1;
	(tag) =	ssettag s2;
	_ =	strace s9  }
0x27: {  	s1 =	sld [smem:$0x3FAE]  }
0x28: {  	s2 =	sld [smem:$0x3FAF]  }
0x29: {  	s4 =	sld [smem:$0x3FB1]  }
0x2a: {  	p0 =	seq.s32 s5, $0x0;
	s5 =	sld [smem:$0x3FB2]  }
0x2b: {  	s6 =	sld [smem:$0x3FB3]  }
0x2c: {  	s7 =	sld [smem:$0x3FB4]  }
0x2d: {  	s3 =	simm.s32 $0x108;
	s8 =	sld [smem:$0x3FB5]  }
0x2e: {  	s3 =	simm.s32 @!p0 $0x1082;
	s9 =	sld [smem:$0x3FB6]  }
0x2f: {  	lr =	sadd.s32 s0, s3;
	s0 =	sld [smem:$0x3FAD]  }
0x30: {  	s3 =	sld [smem:$0x3FB0]  }
0x31: {  	[smem:$0x3FB9] =	sst s10  }
0x32: {  	s10 =	sld [smem:$0x3FB7];
	_ =	sdelay $0x3  }
0x33: {  	p0 =	seq.s32 s10, $0x1;
	s10 =	sld [smem:$0x3FB9];
	_ =	sdelay $0x3  }
0x34: {  	[smem:$0x3FB9] =	sst s10  }
0x35: {  	s10 =	sld [smem:$0x3FB8];
	_ =	sdelay $0x3  }
0x36: {  	p1 =	seq.s32 s10, $0x1;
	s10 =	sld [smem:$0x3FB9];
	_ =	sdelay $0x3  }
0x37: {  	[smem:$0x3FB9] =	sst s10  }
0x38: {  	s10 =	sld [smem:$0x3FBA]  }
0x39: {  	_ = 	snop;
	(pc) =	sbr.ind lr, $3  }
0x3a: {  	_ = 	snop  }
0x3b: {  	_ = 	snop  }
0x3c: {  	p2 =	seq.s32 s10, $0x1;
	s10 =	sld [smem:$0x3FB9]  }
0x3d: {  	_ =	shalt  }
0x3e: {  	_ =	shalt  }
0x3f: {  	_ =	shalt  }
0x40: {  	_ =	shalt  }
0x41: {  	_ =	shalt  }
0x42: {  	_ =	shalt  }
0x43: {  	_ =	shalt  }
0x44: {  	_ =	shalt  }
0x45: {  	_ =	shalt  }
0x46: {  	_ =	shalt  }
0x47: {  	_ =	shalt  }
0x48: {  	_ =	shalt  }
0x49: {  	_ =	shalt  }
0x4a: {  	_ =	shalt  }
0x4b: {  	_ =	shalt  }
0x4c: {  	_ =	shalt  }
0x4d: {  	_ =	shalt  }
0x4e: {  	_ =	shalt  }
0x4f: {  	_ =	shalt  }
0x50: {  	_ =	shalt  }
0x51: {  	_ =	shalt  }
0x52: {  	_ =	shalt  }
0x53: {  	_ =	shalt  }
0x54: {  	_ =	shalt  }
0x55: {  	_ =	shalt  }
0x56: {  	_ =	shalt  }
0x57: {  	_ =	shalt  }
0x58: {  	_ =	shalt  }
0x59: {  	_ =	shalt  }
0x5a: {  	_ =	shalt  }
0x5b: {  	_ =	shalt  }
0x5c: {  	_ =	shalt  }
0x5d: {  	_ =	shalt  }
0x5e: {  	_ =	shalt  }
0x5f: {  	_ =	shalt  }
0x60: {  	_ =	shalt  }
0x61: {  	_ =	shalt  }
0x62: {  	_ =	shalt  }
0x63: {  	_ =	shalt  }
0x64: {  	_ =	shalt  }
0x65: {  	_ =	shalt  }
0x66: {  	_ =	shalt  }
0x67: {  	_ =	shalt  }
0x68: {  	_ =	shalt  }
0x69: {  	_ =	shalt  }
0x6a: {  	_ =	shalt  }
0x6b: {  	_ =	shalt  }
0x6c: {  	_ =	shalt  }
0x6d: {  	_ =	shalt  }
0x6e: {  	_ =	shalt  }
0x6f: {  	_ =	shalt  }
0x70: {  	_ =	shalt  }
0x71: {  	_ =	shalt  }
0x72: {  	_ =	shalt  }
0x73: {  	_ =	shalt  }
0x74: {  	_ =	shalt  }
0x75: {  	_ =	shalt  }
0x76: {  	_ =	shalt  }
0x77: {  	_ =	shalt  }
0x78: {  	_ =	shalt  }
0x79: {  	_ =	shalt  }
0x7a: {  	_ =	shalt  }
0x7b: {  	_ =	shalt  }
0x7c: {  	_ =	shalt  }
0x7d: {  	_ =	shalt  }
0x7e: {  	_ =	shalt  }
0x7f: {  	_ =	shalt  }
0x80: {  	_ =	shalt  }
0x81: {  	_ =	shalt  }
0x82: {  	_ =	shalt  }
0x83: {  	_ =	shalt  }
0x84: {  	_ =	shalt  }
0x85: {  	_ =	shalt  }
0x86: {  	_ =	shalt  }
0x87: {  	_ =	shalt  }
.Lfunc_end0:
.L_simem_size_0:
called_computation_lowered:
.L_overlay_start_0:
0x88: {  	s2 =	sld [smem:$0x3FD9]  }
0x89: {  	s3 =	sld [smem:$0x3FFE];
	_ =	sdelay $0x1  }
0x8a: {  	s1 =	srdreg.scid  }
0x8b: {  	s0 =	sand.u32 $0x1, s1  }
0x8c: {  	s14 =	sshll.u32 s0, $0xA;
	s2 =	sadd.s32 s3, s2  }
0x8d: {  	s2 =	sadd.s32 s2, s14  }
0x8e: {  	[smem:$0x3FC5] =	sst s2  }
0x8f: {  	_ = 	snop  }
0x90: {  	s2 =	sld [smem:$0x3FD0];
	_ =	sdelay $0x2  }
0x91: {  	s15 =	simm.s32 $0xA;
	s4 =	simm.s32 $0x10  }
0x92: {  	[smem:s4], [sflag:s15] =	dma.local [hbm:s2], $0x1  }
0x93: {  	_ =	swait.eq [sflag:s15], $0x1  }
0x94: {  	[sflag:s15] =	ssyncset.done $0x0  }
0x95: {  	[sflag:s15] =	ssyncadd.s32 $0xFFFFFFFF  }
0x96: {  	s16 =	sld [smem:$0x12];
	(tm) =	ssettm $0x1  }
0x97: {  	s17 =	sld [smem:$0x3FFB];
	_ =	sdelay $0x3  }
0x98: {  	_ =	strace s17  }
0x99: {  	s3 =	sld [smem:$0x3FFC];
	_ =	sdelay $0x3  }
0x9a: {  	_ =	strace s3  }
0x9b: {  	s3 =	sld [smem:$0x3FFD];
	_ =	sdelay $0x3  }
0x9c: {  	_ =	strace s3  }
0x9d: {  	_ =	strace $0x8FFFFFFF  }
0x9e: {  	s18 =	sld [smem:$0x3FDB];
	_ =	sdelay $0x1  }
0x9f: {  	s19 =	simm.s32 $_scs_section_size  }
0xa0: {  	s5 =	simm.s32 $_size__tile_overlayer_lowered;
	s6 =	simm.s32 $_tile_overlayer_lowered  }
0xa1: {  	s22 =	simm.s32 $0x1BFF;
	s21 =	sshll.u32 s6, $0x1;
	s3 =	sadd.s32 s19, s18  }
0xa2: {  	s7 =	simm.s32 $0x0;
	s20 =	sshll.u32 s5, $0x1;
	s5 =	sadd.s32 s21, s3  }
0xa3: {  	[timem:s7], [sflag:s22] =	dma.local [hbm:s5], s20  }
0xa4: {  	_ =	swait.ge [sflag:s22], s20  }
0xa5: {  	s4 =	ssub.s32 $0x0, s20;
	[sflag:s22] =	ssyncset.done $0x0  }
0xa6: {  	[sflag:s22] =	ssyncadd.s32 s4;
	_ =	sdelay $0x1  }
0xa7: {  	s23 =	simm.s32 $0x1B8B  }
0xa8: {  	_ =	swait.ge [sflag:s23], $0x1  }
0xa9: {  	[sflag:s23] =	ssyncset.done $0x0  }
0xaa: {  	s25 =	simm.s32 $0x1B8E;
	s24 =	sld [smem:$0x3FFE];
	[sflag:s23] =	ssyncadd.s32 $0xFFFFFFFF  }
0xab: {  	s26 =	simm.s32 $execute0_lowered;
	[smem:$0x3FD2] =	sst s25  }
0xac: {  	s5 =	sshll.u32 s26, $0x1;
	_ =	strace $0x80000046;
	[dreg:$0x1] =	wrdreg $0xFFFFFFFF  }
0xad: {  	s28 =	simm.s32 $_size_execute0_lowered;
	s3 =	sadd.s32 s3, s5;
	[dreg:$0x0] =	wrdreg $0x0  }
0xae: {  	s5 =	sshll.u32 s28, $0x1;
	[dreg:$0x2] =	wrdreg s3  }
0xaf: {  	[dreg:$0x3] =	wrdreg s5  }
0xb0: {  	[dreg:$0x4] =	wrdreg $0xC0  }
0xb1: {  	_ =	task [dreg:s7], $0x5FFFF  }
0xb2: {  	[dreg:$0x1] =	wrdreg $0xFFFFFFFF  }
0xb3: {  	[dreg:$0x0] =	wrdreg $0x60  }
0xb4: {  	[dreg:$0x2] =	wrdreg s16  }
0xb5: {  	[dreg:$0x3] =	wrdreg s24  }
0xb6: {  	[dreg:$0x4] =	wrdreg $0x9  }
0xb7: {  	_ =	task.clear_ibuf [dreg:s7], $0x5FFFF;
	_ =	strace $0x90000046  }
0xb8: {  	s29 =	simm.s32 $0x9;
	_ =	strace $0x80000048  }
0xb9: {  	_ =	swait.ge [sflag:s29], $0x1  }
0xba: {  	[sflag:s29] =	ssyncadd.s32 $0xFFFFFFFF  }
0xbb: {  	_ =	strace $0x90000048  }
0xbc: {  	_ =	sfence  }
0xbd: {  	s30 =	sld [smem:$0x0];
	_ =	sdelay $0x2  }
0xbe: {  	s31 =	sshll.u32 s1, $0xD;
	s1 =	sshrl.u32 s1, $0x2  }
0xbf: {  	s3 =	sand.u32 $0x4000, s31;
	s1 =	sadd.s32 s1, s30  }
0xc0: {  	s0 =	sor.u32 s3, s0;
	s1 =	sshll.u32 s1, $0x11  }
0xc1: {  	s0 =	sor.u32 s1, s0  }
0xc2: {  	s0 =	sadd.s32 $0x8F2B, s0  }
0xc3: {  	[sflag:s0] =	ssyncadd.remote.s32 $0x1  }
0xc4: {  	_ =	sfence.sel $0xFFFF  }
0xc5: {  	[dreg:$0x0] =	wrdreg $0xFFFFFFFF;
	(pc) =	sbr.abs _section_cstart, $3  }
0xc6: {  	[dreg:$0x1] =	wrdreg $0xFFFFFFFF  }
0xc7: {  	_ =	task.clear_ibuf [dreg:s7], $0x2FFFF;
	_ =	strace $0x9FFFFFFF  }
0xc8: {  	(tm) =	ssettm $0x7FFFFFFF  }
0xc9: {  	_ =	shalt  }
tec
execute0_lowered:
.L_overlay_start_1:
0x0: {  	(tag) =	ssettag $0x1  }
0x1: {  	s2 =	rddreg [dreg:$0x0];
	s4 =	simm.s32 $0x0;
	s5 =	srdreg.scid  }
0x2: {  	s1 =	stileid.u32;
	[smem:$0x7FF] =	sst s4  }
0x3: {  	s26 =	sand.u32 $0x1, s5;
	s28 =	sshll.u32 s1, $0x5;
	s6 =	sshll.u32 s1, $0x11  }
0x4: {  	s7 =	sshll.u32 s26, $0x4;
	s5 =	sand.u32 $0x60, s28;
	s4 =	ssub.s32 $0x2, s26  }
0x5: {  	s6 =	sand.u32 $0x180000, s6;
	s5 =	sor.u32 s7, s5;
	s29 =	sshrl.u32 s4, $0x1  }
0x6: {  	s3 =	rddreg [dreg:$0x1];
	s5 =	sor.u32 s6, s5;
	s6 =	ssub.s32 s4, s29  }
0x7: {  	s0 =	rddreg [dreg:$0x2];
	s30 =	sshll.u32 s1, $0x6;
	s31 =	smax.u32 s6, $0x1  }
0x8: {  	_ =	strace $0x80000047;
	s4 =	sor.u32 $0x1C01, s30;
	p0 =	sne.s32 s31, $0x1  }
.Ltmp0:
0x9: {  	s3 =	sadd.s32 s5, s3;
	s2 =	sadd.s32 s2, s5;
	(pc) =	sbr.rel @!p0 .LBB2_2-.Ltmp0, $4  }
0xa: {  	s5 =	simm.s32 $0x1;
	s6 =	simm.s32 $0x80;
	s3 =	sadd.s32 $0x400, s3  }
0xb: {  	[hbm:s3@s6], [sflag:s4] =	dma.strided [hbm:s2@s6], $0x10000, s5, $0x10   }
0xc: {  	_ =	swait.ge [sflag:s5], $0x10000  }
0xd: {  	s7 =	sadd.s32 $0xFFFFFFFF, s31;
	[sflag:s5] =	ssyncset.done $0x0  }
.LBB2_1:
0xe: {  	p0 =	sne.s32 s7, $0x1;
	s7 =	sadd.s32 $0xFFFFFFFF, s7;
	[sflag:s5] =	ssyncadd.s32 $0xFFFF0000  }
.Ltmp1:
0xf: {  	(pc) =	sbr.rel @p0 .LBB2_1-.Ltmp1, $4  }
0x10: {  	_ = 	snop  }
0x11: {  	[hbm:s3@s6], [sflag:s4] =	dma.strided [hbm:s2@s6], $0x10000, s5, $0x10   }
0x12: {  	_ =	swait.ge [sflag:s5], $0x10000  }
0x13: {  	[sflag:s5] =	ssyncset.done $0x0  }
.LBB2_2:
0x14: {  	[sflag:s5] =	ssyncadd.s32 $0xFFFF0000  }
0x15: {  	_ =	sfence.sel $0x180000  }
0x16: {  	[bflag:$0x0] =	sbarrier.arrive $0xFFFF  }
0x17: {  	p0 =	sne.s32 s1, $0x0;
	_ =	strace $0x90000047  }
0x18: {  	s0 =	sadd.s32 @!p0 $0x100000, s0;
	[bflag:$0x2] =	sbarrier.arrive $0xFFFF  }
0x19: {  	[sflag:s0] =	ssyncadd.tile.s32 @!p0 $0x1;
	_ =	shalt  }
.Lfunc_end2:
_tile_overlayer_lowered:
.L_overlay_start_2:
0x1a: {  	(tag) =	ssettag $0x2  }
0x1b: {  	s0 =	rddreg [dreg:$0x0];
	s2 =	stileid.u32  }
0x1c: {  	s1 =	rddreg [dreg:$0x1];
	p0 =	sne.s32 s2, $0x0  }
0x1d: {  	s3 =	rddreg [dreg:$0x2];
	[bflag:$0x3] =	sbarrier.arrive $0xFFFF;
	s2 =	simm.s32 @!p0 $0x1C01  }
0x1e: {  	[timem:s3], [sflag:s2] =	dma.local @!p0 [hbm:s0], s1  }
0x1f: {  	s0 =	simm.s32 @!p0 $0x1  }
0x20: {  	_ =	swait.ge @!p0 [sflag:s0], s1  }
0x21: {  	s1 =	ssub.s32 @!p0 $0x0, s1;
	[sflag:s0] =	ssyncset.done @!p0 $0x0  }
0x22: {  	[sflag:s0] =	ssyncadd.s32 @!p0 s1  }
0x23: {  	[bflag:$0x3] =	sbarrier.arrive $0xFFFF  }
0x24: {  	_ =	shalt  }

</sc_bundles>
